<compile_context>
chip_gen: v7x
topology: tpu7x:2x2x1
jax: 0.10.2.dev20260603
libtpu: 0.0.44.dev20260713+nightly
codegen_flags: <defaults>
</compile_context>

<pallas_src>
import functools

import jax
import jax.numpy as jnp
from jax import lax
from jax.experimental import pallas as pl
from jax.experimental.pallas import tpu as pltpu
from jax.experimental.pallas import tpu_sc as plsc

E = 8
D = 1024
N = 32768
BLK = 2048

_NC = 2
_NS = 16
_NW = _NC * _NS
_TOK_PER_W = N // _NW
_L = 16


def _affine_body(y_ref, s_ref, b_ref, x_ref, out_ref):
    y = y_ref[0, 0, :]
    classes = lax.broadcasted_iota(jnp.int32, (1, E), 1)
    onehot = (y[:, None] == classes).astype(jnp.float32)
    es = jnp.exp(s_ref[...])
    es_tok = jnp.dot(onehot, es, preferred_element_type=jnp.float32)
    b_tok = jnp.dot(onehot, b_ref[...], preferred_element_type=jnp.float32)
    out_ref[...] = x_ref[...] * es_tok + b_tok


def _reg_gather(v, idx):
    dn = lax.GatherDimensionNumbers(
        offset_dims=(), collapsed_slice_dims=(0,), start_index_map=(0,)
    )
    return lax.gather(
        v,
        idx[:, None],
        dn,
        slice_sizes=(1,),
        mode=lax.GatherScatterMode.PROMISE_IN_BOUNDS,
    )


def _logdet_sc(s_hbm, y_hbm, ld_hbm, s_v, y_v, ld_v, cls_v):
    wid = lax.axis_index("s") * _NC + lax.axis_index("c")
    base = wid * _TOK_PER_W
    pltpu.sync_copy(s_hbm, s_v)
    pltpu.sync_copy(y_hbm.at[pl.ds(base, _TOK_PER_W)], y_v)

    lane = lax.iota(jnp.int32, _L)

    def per_class(e, cls):
        def rsum(j, acc):
            return acc + s_v[e, pl.ds(j * _L, _L)]

        acc = lax.fori_loop(0, D // _L, rsum, jnp.zeros((_L,), jnp.float32))
        for sh in (1, 2, 4, 8):
            perm = jnp.bitwise_xor(lane, sh)
            acc = acc + _reg_gather(acc, perm)
        return jnp.where(lane == e, acc, cls)

    cls_v[...] = lax.fori_loop(0, E, per_class, jnp.zeros((_L,), jnp.float32))

    def body(g, _):
        yv = y_v[pl.ds(g * _L, _L)]
        ld_v[pl.ds(g * _L, _L)] = plsc.load_gather(cls_v, [yv])
        return ()

    lax.fori_loop(0, _TOK_PER_W // _L, body, ())
    pltpu.sync_copy(ld_v, ld_hbm.at[pl.ds(base, _TOK_PER_W)])


@functools.partial(
    pl.kernel,
    out_type=jax.ShapeDtypeStruct((N,), jnp.float32),
    mesh=plsc.VectorSubcoreMesh(core_axis_name="c", subcore_axis_name="s"),
    scratch_types=[
        pltpu.VMEM((E, D), jnp.float32),
        pltpu.VMEM((_TOK_PER_W,), jnp.int32),
        pltpu.VMEM((_TOK_PER_W,), jnp.float32),
        pltpu.VMEM((_L,), jnp.float32),
    ],
    compiler_params=pltpu.CompilerParams(
        needs_layout_passes=False, skip_device_barrier=True
    ),
)
def _logdet_kernel(s_hbm, y_hbm, ld_hbm, s_v, y_v, ld_v, cls_v):
    _logdet_sc(s_hbm, y_hbm, ld_hbm, s_v, y_v, ld_v, cls_v)


@jax.jit
def kernel(x, y_idx, s, b):
    nblk = N // BLK
    y32 = y_idx.astype(jnp.int32)
    y3 = y32.reshape(nblk, 1, BLK)
    out = pl.pallas_call(
        _affine_body,
        grid=(nblk,),
        in_specs=[
            pl.BlockSpec((1, 1, BLK), lambda i: (i, 0, 0)),
            pl.BlockSpec((E, D), lambda i: (0, 0)),
            pl.BlockSpec((E, D), lambda i: (0, 0)),
            pl.BlockSpec((BLK, D), lambda i: (i, 0)),
        ],
        out_specs=pl.BlockSpec((BLK, D), lambda i: (i, 0)),
        out_shape=jax.ShapeDtypeStruct((N, D), jnp.float32),
        compiler_params=pltpu.CompilerParams(
            dimension_semantics=("arbitrary",),
            vmem_limit_bytes=110 * 1024 * 1024,
        ),
    )(y3, s, b, x)
    ld = _logdet_kernel(s, y32)
    return out, ld

# --- scband reference (transcript-rebuilt; emitter-appended) ---
"""Pipeline reference for scband-invertible-class-conditional-30468497998400 (READ-ONLY COPY).

The authoritative reference and input builder live on the scoring server;
editing this copy changes nothing except your own understanding.
"""

import jax, jax.numpy as jnp
import numpy as np

E = 8
D = 1024
N = 32768

def setup_inputs(seed: int = 0) -> dict:
    key = jax.random.key(seed)
    k1, k2, k3, k4 = jax.random.split(key, 4)
    x = jax.random.normal(k1, (N, D), dtype=jnp.float32)
    y_idx = jax.random.randint(k2, (N,), 0, E)
    # learned per-class invertible-affine params (one module per class)
    s = jax.random.normal(k3, (E, D), dtype=jnp.float32) * 0.05
    b = jax.random.normal(k4, (E, D), dtype=jnp.float32) * 0.05
    return {"x": x, "y_idx": y_idx, "s": s, "b": b}

def reference(x, y_idx, s, b):
    # Faithful to InvertibleClassConditional.compute(mode='forward') with
    # fixed['y'] = one_hot(y_idx). Each token belongs to exactly one class
    # (masks y[:, i]==1 are disjoint/exhaustive). Routing each class subset
    # through its module (affine flow: out = x*exp(s_e)+b_e,
    # log_det = sum(s_e)) and masked_scatter-ing back is exactly equivalent
    # to gathering each token's class parameters and applying them in place.
    s_tok = jnp.take(s, y_idx, axis=0)          # gather [N, D]
    b_tok = jnp.take(b, y_idx, axis=0)          # gather [N, D]
    outs_full = x * jnp.exp(s_tok) + b_tok      # per-token expert compute
    log_dets_full = jnp.sum(s_tok, axis=-1)     # [N]
    return outs_full, log_dets_full

if __name__ == "__main__":
    import jax
    _d = setup_inputs()
    print(jax.jit(kernel)(*tuple(_d.values())))

</pallas_src>

<mosaic_0001>
#map = affine_map<(d0, d1) -> (0, 0)>
#map1 = affine_map<(d0, d1) -> (0)>
module attributes {stable_mosaic.version = 14 : i64} {
  func.func @_logdet_kernel(%arg0: i32, %arg1: i32, %arg2: memref<8x1024xf32, #tpu.memory_space<hbm>>, %arg3: memref<32768xi32, #tpu.memory_space<hbm>>, %arg4: memref<32768xf32, #tpu.memory_space<hbm>>, %arg5: memref<8x1024xf32, #tpu.memory_space<vmem>>, %arg6: memref<1024xi32, #tpu.memory_space<vmem>>, %arg7: memref<1024xf32, #tpu.memory_space<vmem>>, %arg8: memref<16xf32, #tpu.memory_space<vmem>>) attributes {dimension_semantics = [#tpu.dimension_semantics<core_parallel>, #tpu.dimension_semantics<subcore_parallel>], iteration_bounds = array<i64: 2, 16>, scalar_prefetch = 0 : i64, scratch_operands = 4 : i64, tpu.core_type = #tpu.core_type<sc_vector_subcore>, window_params = [{transform_indices = #map}, {transform_indices = #map1}, {transform_indices = #map1}]} {
    %mul3A = arith.constant 2 : i32
    %mul3A_0 = arith.muli %arg1, %mul3A : i32
    %add3A = arith.addi %mul3A_0, %arg0 : i32
    %mul3A_1 = arith.constant 1024 : i32
    %mul3A_2 = arith.muli %add3A, %mul3A_1 : i32
    "tpu.region"() ({
      %run_scoped3A = tpu.sem_alloc : memref<!tpu.dma_semaphore, #tpu.memory_space<semaphore_mem>>
      tpu.enqueue_dma source(%arg2 : memref<8x1024xf32, #tpu.memory_space<hbm>>) target(%arg5 : memref<8x1024xf32, #tpu.memory_space<vmem>>) target_semaphore(%run_scoped3A : memref<!tpu.dma_semaphore, #tpu.memory_space<semaphore_mem>>)
      tpu.wait_dma2 semaphore(%run_scoped3A : memref<!tpu.dma_semaphore, #tpu.memory_space<semaphore_mem>>) src(%arg2 : memref<8x1024xf32, #tpu.memory_space<hbm>>) dst(%arg5 : memref<8x1024xf32, #tpu.memory_space<vmem>>)
      tpu.yield
    }) : () -> ()
    "tpu.region"() ({
      %run_scoped3A = tpu.sem_alloc : memref<!tpu.dma_semaphore, #tpu.memory_space<semaphore_mem>>
      %dma_start3A = tpu.memref_slice %arg3[%mul3A_2] : memref<32768xi32, #tpu.memory_space<hbm>> -> memref<1024xi32, #tpu.memory_space<hbm>>
      %dma_start3A_15 = tpu.memref_slice %arg3[%mul3A_2] : memref<32768xi32, #tpu.memory_space<hbm>> -> memref<1024xi32, #tpu.memory_space<hbm>>
      tpu.enqueue_dma source(%dma_start3A_15 : memref<1024xi32, #tpu.memory_space<hbm>>) target(%arg6 : memref<1024xi32, #tpu.memory_space<vmem>>) target_semaphore(%run_scoped3A : memref<!tpu.dma_semaphore, #tpu.memory_space<semaphore_mem>>)
      %dma_wait3A = tpu.memref_slice %arg3[%mul3A_2] : memref<32768xi32, #tpu.memory_space<hbm>> -> memref<1024xi32, #tpu.memory_space<hbm>>
      %dma_wait3A_16 = tpu.memref_slice %arg3[%mul3A_2] : memref<32768xi32, #tpu.memory_space<hbm>> -> memref<1024xi32, #tpu.memory_space<hbm>>
      tpu.wait_dma2 semaphore(%run_scoped3A : memref<!tpu.dma_semaphore, #tpu.memory_space<semaphore_mem>>) src(%dma_wait3A_16 : memref<1024xi32, #tpu.memory_space<hbm>>) dst(%arg6 : memref<1024xi32, #tpu.memory_space<vmem>>)
      tpu.yield
    }) : () -> ()
    %iota3A = tpu.iota {dimensions = array<i32: 0>} : vector<16xi32>
    %broadcast_in_dim3A = arith.constant 0.000000e+00 : f32
    %broadcast_in_dim3A_3 = vector.broadcast %broadcast_in_dim3A : f32 to vector<16xf32>
    %scan3A = arith.constant 0 : i32
    %scan3A_4 = arith.constant 8 : i32
    %scan3A_5 = arith.addi %scan3A, %scan3A_4 : i32
    %scan3A_6 = arith.constant 1 : i32
    %scan3A_7 = scf.for %scan3A_15 = %scan3A to %scan3A_5 step %scan3A_6 iter_args(%scan3A_16 = %broadcast_in_dim3A_3) -> (vector<16xf32>)  : i32 {
      %broadcast_in_dim3A_17 = arith.constant 0.000000e+00 : f32
      %broadcast_in_dim3A_18 = vector.broadcast %broadcast_in_dim3A_17 : f32 to vector<16xf32>
      %scan3A_19 = arith.constant 0 : i32
      %scan3A_20 = arith.constant 64 : i32
      %scan3A_21 = arith.addi %scan3A_19, %scan3A_20 : i32
      %scan3A_22 = arith.constant 1 : i32
      %scan3A_23 = scf.for %scan3A_52 = %scan3A_19 to %scan3A_21 step %scan3A_22 iter_args(%scan3A_53 = %broadcast_in_dim3A_18) -> (vector<16xf32>)  : i32 {
        %mul3A_54 = arith.constant 16 : i32
        %mul3A_55 = arith.muli %scan3A_52, %mul3A_54 : i32
        %get3A = arith.index_cast %scan3A_15 : i32 to index
        %get3A_56 = arith.index_cast %mul3A_55 : i32 to index
        %get3A_57 = tpu.vector_load %arg5[%get3A, %get3A_56] {strides = array<i32>} : memref<8x1024xf32, #tpu.memory_space<vmem>>, vector<16xf32>,
        %add3A_58 = arith.addf %scan3A_53, %get3A_57 : vector<16xf32>
        scf.yield %add3A_58 : vector<16xf32>
      }
      %scan3A_24 = arith.constant 64 : i32
      %xor3A = arith.constant 1 : i32
      %xor3A_25 = vector.broadcast %xor3A : i32 to vector<16xi32>
      %xor3A_26 = arith.xori %iota3A, %xor3A_25 : vector<16xi32>
      %broadcast_in_dim3A_27 = vector.shape_cast %xor3A_26 : vector<16xi32> to vector<16x1xi32>
      %gather3A = vector.shape_cast %broadcast_in_dim3A_27 : vector<16x1xi32> to vector<16xi32>
      %gather3A_28 = tpu.dynamic_gather %scan3A_23[%gather3A] in [0] : vector<16xf32>, vector<16xi32> -> vector<16xf32>
      %add3A_29 = arith.addf %scan3A_23, %gather3A_28 : vector<16xf32>
      %xor3A_30 = arith.constant 2 : i32
      %xor3A_31 = vector.broadcast %xor3A_30 : i32 to vector<16xi32>
      %xor3A_32 = arith.xori %iota3A, %xor3A_31 : vector<16xi32>
      %broadcast_in_dim3A_33 = vector.shape_cast %xor3A_32 : vector<16xi32> to vector<16x1xi32>
      %gather3A_34 = vector.shape_cast %broadcast_in_dim3A_33 : vector<16x1xi32> to vector<16xi32>
      %gather3A_35 = tpu.dynamic_gather %add3A_29[%gather3A_34] in [0] : vector<16xf32>, vector<16xi32> -> vector<16xf32>
      %add3A_36 = arith.addf %add3A_29, %gather3A_35 : vector<16xf32>
      %xor3A_37 = arith.constant 4 : i32
      %xor3A_38 = vector.broadcast %xor3A_37 : i32 to vector<16xi32>
      %xor3A_39 = arith.xori %iota3A, %xor3A_38 : vector<16xi32>
      %broadcast_in_dim3A_40 = vector.shape_cast %xor3A_39 : vector<16xi32> to vector<16x1xi32>
      %gather3A_41 = vector.shape_cast %broadcast_in_dim3A_40 : vector<16x1xi32> to vector<16xi32>
      %gather3A_42 = tpu.dynamic_gather %add3A_36[%gather3A_41] in [0] : vector<16xf32>, vector<16xi32> -> vector<16xf32>
      %add3A_43 = arith.addf %add3A_36, %gather3A_42 : vector<16xf32>
      %xor3A_44 = arith.constant 8 : i32
      %xor3A_45 = vector.broadcast %xor3A_44 : i32 to vector<16xi32>
      %xor3A_46 = arith.xori %iota3A, %xor3A_45 : vector<16xi32>
      %broadcast_in_dim3A_47 = vector.shape_cast %xor3A_46 : vector<16xi32> to vector<16x1xi32>
      %gather3A_48 = vector.shape_cast %broadcast_in_dim3A_47 : vector<16x1xi32> to vector<16xi32>
      %gather3A_49 = tpu.dynamic_gather %add3A_43[%gather3A_48] in [0] : vector<16xf32>, vector<16xi32> -> vector<16xf32>
      %add3A_50 = arith.addf %add3A_43, %gather3A_49 : vector<16xf32>
      %eq3A = vector.broadcast %scan3A_15 : i32 to vector<16xi32>
      %eq3A_51 = arith.cmpi eq, %iota3A, %eq3A : vector<16xi32>
      %select_n3A = arith.select %eq3A_51, %add3A_50, %scan3A_16 : vector<16xi1>, vector<16xf32>
      scf.yield %select_n3A : vector<16xf32>
    }
    %scan3A_8 = arith.constant 8 : i32
    %swap3A = arith.constant 0 : index
    %swap3A_9 = tpu.vector_load %arg8[%swap3A] {strides = array<i32>} : memref<16xf32, #tpu.memory_space<vmem>>, vector<16xf32>,
    tpu.vector_store %arg8[%swap3A], %scan3A_7 {strides = array<i32>} : memref<16xf32, #tpu.memory_space<vmem>>, vector<16xf32>,
    %scan3A_10 = arith.constant 0 : i32
    %scan3A_11 = arith.constant 64 : i32
    %scan3A_12 = arith.addi %scan3A_10, %scan3A_11 : i32
    %scan3A_13 = arith.constant 1 : i32
    scf.for %scan3A_15 = %scan3A_10 to %scan3A_12 step %scan3A_13  : i32 {
      %mul3A_16 = arith.constant 16 : i32
      %mul3A_17 = arith.muli %scan3A_15, %mul3A_16 : i32
      %get3A = arith.index_cast %mul3A_17 : i32 to index
      %get3A_18 = tpu.vector_load %arg6[%get3A] {strides = array<i32>} : memref<1024xi32, #tpu.memory_space<vmem>>, vector<16xi32>,
      %gather3A = tpu.vector_load_idx %arg8[%get3A_18] : memref<16xf32, #tpu.memory_space<vmem>>[vector<16xi32>], vector<16xf32>,
      %mul3A_19 = arith.constant 16 : i32
      %mul3A_20 = arith.muli %scan3A_15, %mul3A_19 : i32
      %swap3A_21 = arith.index_cast %mul3A_20 : i32 to index
      %swap3A_22 = tpu.vector_load %arg7[%swap3A_21] {strides = array<i32>} : memref<1024xf32, #tpu.memory_space<vmem>>, vector<16xf32>,
      tpu.vector_store %arg7[%swap3A_21], %gather3A {strides = array<i32>} : memref<1024xf32, #tpu.memory_space<vmem>>, vector<16xf32>,
    }
    %scan3A_14 = arith.constant 64 : i32
    "tpu.region"() ({
      %run_scoped3A = tpu.sem_alloc : memref<!tpu.dma_semaphore, #tpu.memory_space<semaphore_mem>>
      %dma_start3A = tpu.memref_slice %arg4[%mul3A_2] : memref<32768xf32, #tpu.memory_space<hbm>> -> memref<1024xf32, #tpu.memory_space<hbm>>
      %dma_start3A_15 = tpu.memref_slice %arg4[%mul3A_2] : memref<32768xf32, #tpu.memory_space<hbm>> -> memref<1024xf32, #tpu.memory_space<hbm>>
      tpu.enqueue_dma source(%arg7 : memref<1024xf32, #tpu.memory_space<vmem>>) target(%dma_start3A_15 : memref<1024xf32, #tpu.memory_space<hbm>>) target_semaphore(%run_scoped3A : memref<!tpu.dma_semaphore, #tpu.memory_space<semaphore_mem>>)
      %dma_wait3A = tpu.memref_slice %arg4[%mul3A_2] : memref<32768xf32, #tpu.memory_space<hbm>> -> memref<1024xf32, #tpu.memory_space<hbm>>
      %dma_wait3A_16 = tpu.memref_slice %arg4[%mul3A_2] : memref<32768xf32, #tpu.memory_space<hbm>> -> memref<1024xf32, #tpu.memory_space<hbm>>
      tpu.wait_dma2 semaphore(%run_scoped3A : memref<!tpu.dma_semaphore, #tpu.memory_space<semaphore_mem>>) src(%arg7 : memref<1024xf32, #tpu.memory_space<vmem>>) dst(%dma_wait3A_16 : memref<1024xf32, #tpu.memory_space<hbm>>)
      tpu.yield
    }) : () -> ()
    return
  }
}

module attributes {stable_mosaic.version = 14 : i64} {
  func.func @_affine_body(%arg0: i32, %arg1: memref<1x1x2048xi32, #tpu.memory_space<vmem>>, %arg2: memref<8x1024xf32, #tpu.memory_space<vmem>>, %arg3: memref<8x1024xf32, #tpu.memory_space<vmem>>, %arg4: memref<2048x1024xf32, #tpu.memory_space<vmem>>, %arg5: memref<2048x1024xf32, #tpu.memory_space<vmem>>) attributes {dimension_semantics = [#tpu.dimension_semantics<arbitrary>], iteration_bounds = array<i64: 16>, scalar_prefetch = 0 : i64, scratch_operands = 0 : i64, tpu.core_type = #tpu.core_type<tc>, window_params = [{transform_indices = @transform_0, window_bounds = array<i64: 1, 1, 2048>}, {pipeline_mode = #tpu.pipeline_mode<synchronous>, transform_indices = @transform_1, window_bounds = array<i64: 8, 1024>}, {pipeline_mode = #tpu.pipeline_mode<synchronous>, transform_indices = @transform_2, window_bounds = array<i64: 8, 1024>}, {transform_indices = @transform_3, window_bounds = array<i64: 2048, 1024>}, {transform_indices = @transform_4, window_bounds = array<i64: 2048, 1024>}]} {
    %get3A = arith.constant 0 : index
    %get3A_0 = arith.constant 0 : index
    %get3A_1 = arith.constant 0 : index
    %get3A_2 = vector.load %arg1[%get3A, %get3A_0, %get3A_1] : memref<1x1x2048xi32, #tpu.memory_space<vmem>>, vector<1x1x2048xi32>
    %get3A_3 = vector.shape_cast %get3A_2 : vector<1x1x2048xi32> to vector<2048xi32>
    %iota3A = tpu.iota {dimensions = array<i32: 1>} : vector<1x8xi32>
    %broadcast_in_dim3A = vector.shape_cast %get3A_3 : vector<2048xi32> to vector<2048x1xi32>
    %eq3A = vector.broadcast %broadcast_in_dim3A : vector<2048x1xi32> to vector<2048x8xi32>
    %eq3A_4 = vector.broadcast %iota3A : vector<1x8xi32> to vector<2048x8xi32>
    %eq3A_5 = arith.cmpi eq, %eq3A, %eq3A_4 : vector<2048x8xi32>
    %convert_element_type3A = arith.extui %eq3A_5 : vector<2048x8xi1> to vector<2048x8xi32>
    %convert_element_type3A_6 = arith.sitofp %convert_element_type3A : vector<2048x8xi32> to vector<2048x8xf32>
    %get3A_7 = arith.constant 0 : index
    %get3A_8 = arith.constant 0 : index
    %get3A_9 = vector.load %arg2[%get3A_7, %get3A_8] : memref<8x1024xf32, #tpu.memory_space<vmem>>, vector<8x1024xf32>
    %exp3A = math.exp %get3A_9 : vector<8x1024xf32>
    %dot_general3A = arith.constant dense<0.000000e+00> : vector<2048x1024xf32>
    %dot_general3A_10 = tpu.matmul %convert_element_type3A_6, %exp3A, %dot_general3A {dimension_numbers = #tpu.dot_dimension_numbers<[1], [0], [0], [1], [0, 0, 1, 1], [], []>, transpose_lhs_hint = false} : vector<2048x8xf32>, vector<8x1024xf32>, vector<2048x1024xf32> -> vector<2048x1024xf32>
    %get3A_11 = arith.constant 0 : index
    %get3A_12 = arith.constant 0 : index
    %get3A_13 = vector.load %arg3[%get3A_11, %get3A_12] : memref<8x1024xf32, #tpu.memory_space<vmem>>, vector<8x1024xf32>
    %dot_general3A_14 = arith.constant dense<0.000000e+00> : vector<2048x1024xf32>
    %dot_general3A_15 = tpu.matmul %convert_element_type3A_6, %get3A_13, %dot_general3A_14 {dimension_numbers = #tpu.dot_dimension_numbers<[1], [0], [0], [1], [0, 0, 1, 1], [], []>, transpose_lhs_hint = false} : vector<2048x8xf32>, vector<8x1024xf32>, vector<2048x1024xf32> -> vector<2048x1024xf32>
    %get3A_16 = arith.constant 0 : index
    %get3A_17 = arith.constant 0 : index
    %get3A_18 = vector.load %arg4[%get3A_16, %get3A_17] : memref<2048x1024xf32, #tpu.memory_space<vmem>>, vector<2048x1024xf32>
    %mul3A = arith.mulf %get3A_18, %dot_general3A_10 : vector<2048x1024xf32>
    %add3A = arith.addf %mul3A, %dot_general3A_15 : vector<2048x1024xf32>
    %swap3A = arith.constant 0 : index
    %swap3A_19 = arith.constant 0 : index
    %swap3A_20 = vector.load %arg5[%swap3A, %swap3A_19] : memref<2048x1024xf32, #tpu.memory_space<vmem>>, vector<2048x1024xf32>
    tpu.vector_store %arg5[%swap3A, %swap3A_19], %add3A {strides = array<i32>} : memref<2048x1024xf32, #tpu.memory_space<vmem>>, vector<2048x1024xf32>,
    return
  }
  func.func @transform_0(%arg0: i32) -> (i32, i32, i32) {
    %c0_i32 = arith.constant 0 : i32
    %c0_i32_0 = arith.constant 0 : i32
    %c0_i32_1 = arith.constant 0 : i32
    return %arg0, %c0_i32, %c0_i32_0 : i32, i32, i32
  }
  func.func @transform_1(%arg0: i32) -> (i32, i32) {
    %c0_i32 = arith.constant 0 : i32
    %c0_i32_0 = arith.constant 0 : i32
    %c0_i32_1 = arith.constant 0 : i32
    return %c0_i32, %c0_i32_0 : i32, i32
  }
  func.func @transform_2(%arg0: i32) -> (i32, i32) {
    %c0_i32 = arith.constant 0 : i32
    %c0_i32_0 = arith.constant 0 : i32
    %c0_i32_1 = arith.constant 0 : i32
    return %c0_i32, %c0_i32_0 : i32, i32
  }
  func.func @transform_3(%arg0: i32) -> (i32, i32) {
    %c0_i32 = arith.constant 0 : i32
    %c0_i32_0 = arith.constant 0 : i32
    return %arg0, %c0_i32 : i32, i32
  }
  func.func @transform_4(%arg0: i32) -> (i32, i32) {
    %c0_i32 = arith.constant 0 : i32
    %c0_i32_0 = arith.constant 0 : i32
    return %arg0, %c0_i32 : i32, i32
  }
}

</mosaic_0001>

<sc_bundles>
// kernel: kernel.4.cloned.1.call-start
scs
__scs_entry_jumppad:
0x0: {  	(pc) =	sbr.rel $0x88, $3  }
0x1: {  	(tag) =	ssettag $0x0;
	lr =	simm.s32 $0x1  }
0x2: {  	[smem:$0x3F9D] =	sst lr;
	_ =	strace $0xD0000000  }
0x3: {  	_ = 	snop  }
0x4: {  	_ = 	snop  }
0x5: {  	_ = 	snop  }
0x6: {  	_ = 	snop  }
0x7: {  	_ = 	snop  }
__scs_overlays_trampoline_lowered:
0x8: {  	[smem:$0x3FAC] =	sst s0  }
0x9: {  	[smem:$0x3FAD] =	sst s1  }
0xa: {  	[smem:$0x3FAE] =	sst s2  }
0xb: {  	[smem:$0x3FAF] =	sst s3  }
0xc: {  	[smem:$0x3FB0] =	sst s4  }
0xd: {  	[smem:$0x3FB1] =	sst s5  }
0xe: {  	[smem:$0x3FB2] =	sst s6  }
0xf: {  	[smem:$0x3FB3] =	sst s7  }
0x10: {  	[smem:$0x3FB4] =	sst s8  }
0x11: {  	[smem:$0x3FB5] =	sst s9;
	s0 =	simm.s32 @!p0 $0x0  }
0x12: {  	s1 =	sld [smem:$0x3F9B];
	s0 =	simm.s32 @p0 $0x1  }
0x13: {  	[smem:$0x3FB6] =	sst s0;
	s0 =	simm.s32 @!p1 $0x0  }
0x14: {  	s2 =	sld [smem:$0x3F9A];
	s0 =	simm.s32 @p1 $0x1  }
0x15: {  	[smem:$0x3FB7] =	sst s0;
	s0 =	simm.s32 @!p2 $0x0  }
0x16: {  	s3 =	sld [smem:$0x3FDB];
	s0 =	simm.s32 @p2 $0x1  }
0x17: {  	s4 =	simm.s32 $0x1BF5;
	[smem:$0x3FB9] =	sst s0  }
0x18: {  	s0 =	sld [smem:$0x3F9C];
	_ =	swait.ge [sflag:s4], $0x0  }
0x19: {  	s7 =	sld [smem:$0x3F9D]  }
0x1a: {  	s8 =	sadd.s32 $0xFFFFE003, lr  }
0x1b: {  	s9 =	sadd.s32 $0xFFFFFEF7, lr;
	s5 =	simm.s32 $0xFFFFFFFF;
	p2 =	slt.u32 s8, $0xFFFFF086  }
0x1c: {  	p1 =	slt.u32 s9, $0xF7A;
	s5 =	simm.s32 @!p2 $0x0  }
0x1d: {  	s5 =	simm.s32 @p1 $0x1;
	p0 =	seq.s32 s7, s2  }
0x1e: {  	s7 =	smul.u32 @!p0 $0xF7A, s2;
	p2 =	seq.s32 @!p0 s5, $0x0  }
0x1f: {  	s9 =	smul.u32 $0xF7A, s1;
	s8 =	simm.s32 @!p0 $0x1BF5;
	p2 =	por !p2, p0  }
0x20: {  	[sflag:s8] =	ssyncset.s32 @!p0 $0xFFFFF086;
	s6 =	sadd.s32 @!p0 s3, s7;
	s7 =	simm.s32 @!p0 $0x108  }
0x21: {  	s3 =	sadd.s32 s3, s9;
	s6 =	sadd.s32 @!p0 $0x88, s6;
	s7 =	simm.s32 @p2 $0x1082  }
0x22: {  	[simem:s7], [sflag:s8] =	dma.local @!p0 [hbm:s6], $0xF7A  }
0x23: {  	s9 =	sor.u32 $0xD0000000, s2;
	s6 =	simm.s32 $0x108;
	_ =	swait.ge @!p0 [sflag:s8], $0x0  }
0x24: {  	s3 =	sadd.s32 $0x88, s3;
	s6 =	simm.s32 @!p1 $0x1082;
	[sflag:s4] =	ssyncset.s32 $0xFFFFF086  }
0x25: {  	[simem:s6], [sflag:s4] =	dma.local [hbm:s3], $0xF7A  }
0x26: {  	[smem:$0x3F9D] =	sst s1;
	(tag) =	ssettag s2;
	_ =	strace s9  }
0x27: {  	s1 =	sld [smem:$0x3FAD]  }
0x28: {  	s2 =	sld [smem:$0x3FAE]  }
0x29: {  	s4 =	sld [smem:$0x3FB0]  }
0x2a: {  	p0 =	seq.s32 s5, $0x0;
	s5 =	sld [smem:$0x3FB1]  }
0x2b: {  	s6 =	sld [smem:$0x3FB2]  }
0x2c: {  	s7 =	sld [smem:$0x3FB3]  }
0x2d: {  	s3 =	simm.s32 $0x108;
	s8 =	sld [smem:$0x3FB4]  }
0x2e: {  	s3 =	simm.s32 @!p0 $0x1082;
	s9 =	sld [smem:$0x3FB5]  }
0x2f: {  	lr =	sadd.s32 s0, s3;
	s0 =	sld [smem:$0x3FAC]  }
0x30: {  	s3 =	sld [smem:$0x3FAF]  }
0x31: {  	[smem:$0x3FB8] =	sst s10  }
0x32: {  	s10 =	sld [smem:$0x3FB6];
	_ =	sdelay $0x3  }
0x33: {  	p0 =	seq.s32 s10, $0x1;
	s10 =	sld [smem:$0x3FB8];
	_ =	sdelay $0x3  }
0x34: {  	[smem:$0x3FB8] =	sst s10  }
0x35: {  	s10 =	sld [smem:$0x3FB7];
	_ =	sdelay $0x3  }
0x36: {  	p1 =	seq.s32 s10, $0x1;
	s10 =	sld [smem:$0x3FB8];
	_ =	sdelay $0x3  }
0x37: {  	[smem:$0x3FB8] =	sst s10  }
0x38: {  	s10 =	sld [smem:$0x3FB9]  }
0x39: {  	_ = 	snop;
	(pc) =	sbr.ind lr, $3  }
0x3a: {  	_ = 	snop  }
0x3b: {  	_ = 	snop  }
0x3c: {  	p2 =	seq.s32 s10, $0x1;
	s10 =	sld [smem:$0x3FB8]  }
0x3d: {  	_ =	shalt  }
0x3e: {  	_ =	shalt  }
0x3f: {  	_ =	shalt  }
0x40: {  	_ =	shalt  }
0x41: {  	_ =	shalt  }
0x42: {  	_ =	shalt  }
0x43: {  	_ =	shalt  }
0x44: {  	_ =	shalt  }
0x45: {  	_ =	shalt  }
0x46: {  	_ =	shalt  }
0x47: {  	_ =	shalt  }
0x48: {  	_ =	shalt  }
0x49: {  	_ =	shalt  }
0x4a: {  	_ =	shalt  }
0x4b: {  	_ =	shalt  }
0x4c: {  	_ =	shalt  }
0x4d: {  	_ =	shalt  }
0x4e: {  	_ =	shalt  }
0x4f: {  	_ =	shalt  }
0x50: {  	_ =	shalt  }
0x51: {  	_ =	shalt  }
0x52: {  	_ =	shalt  }
0x53: {  	_ =	shalt  }
0x54: {  	_ =	shalt  }
0x55: {  	_ =	shalt  }
0x56: {  	_ =	shalt  }
0x57: {  	_ =	shalt  }
0x58: {  	_ =	shalt  }
0x59: {  	_ =	shalt  }
0x5a: {  	_ =	shalt  }
0x5b: {  	_ =	shalt  }
0x5c: {  	_ =	shalt  }
0x5d: {  	_ =	shalt  }
0x5e: {  	_ =	shalt  }
0x5f: {  	_ =	shalt  }
0x60: {  	_ =	shalt  }
0x61: {  	_ =	shalt  }
0x62: {  	_ =	shalt  }
0x63: {  	_ =	shalt  }
0x64: {  	_ =	shalt  }
0x65: {  	_ =	shalt  }
0x66: {  	_ =	shalt  }
0x67: {  	_ =	shalt  }
0x68: {  	_ =	shalt  }
0x69: {  	_ =	shalt  }
0x6a: {  	_ =	shalt  }
0x6b: {  	_ =	shalt  }
0x6c: {  	_ =	shalt  }
0x6d: {  	_ =	shalt  }
0x6e: {  	_ =	shalt  }
0x6f: {  	_ =	shalt  }
0x70: {  	_ =	shalt  }
0x71: {  	_ =	shalt  }
0x72: {  	_ =	shalt  }
0x73: {  	_ =	shalt  }
0x74: {  	_ =	shalt  }
0x75: {  	_ =	shalt  }
0x76: {  	_ =	shalt  }
0x77: {  	_ =	shalt  }
0x78: {  	_ =	shalt  }
0x79: {  	_ =	shalt  }
0x7a: {  	_ =	shalt  }
0x7b: {  	_ =	shalt  }
0x7c: {  	_ =	shalt  }
0x7d: {  	_ =	shalt  }
0x7e: {  	_ =	shalt  }
0x7f: {  	_ =	shalt  }
0x80: {  	_ =	shalt  }
0x81: {  	_ =	shalt  }
0x82: {  	_ =	shalt  }
0x83: {  	_ =	shalt  }
0x84: {  	_ =	shalt  }
0x85: {  	_ =	shalt  }
0x86: {  	_ =	shalt  }
0x87: {  	_ =	shalt  }
.Lfunc_end0:
.L_simem_size_0:
called_computation_lowered:
.L_overlay_start_0:
0x88: {  	s2 =	sld [smem:$0x3FD9]  }
0x89: {  	s3 =	sld [smem:$0x3FFE];
	_ =	sdelay $0x1  }
0x8a: {  	s1 =	srdreg.scid  }
0x8b: {  	s0 =	sand.u32 $0x1, s1  }
0x8c: {  	s15 =	sshll.u32 s0, $0xA;
	s2 =	sadd.s32 s3, s2  }
0x8d: {  	s2 =	sadd.s32 s2, s15  }
0x8e: {  	[smem:$0x3FC4] =	sst s2  }
0x8f: {  	_ = 	snop  }
0x90: {  	s2 =	sld [smem:$0x3FD0];
	_ =	sdelay $0x1  }
0x91: {  	s16 =	sld [smem:$0x3FC8]  }
0x92: {  	s5 =	simm.s32 $0xA;
	s6 =	simm.s32 $0x10;
	s4 =	sld [smem:$0x3FC7]  }
0x93: {  	[smem:s6], [sflag:s5] =	dma.local [hbm:s2], $0x1  }
0x94: {  	_ =	swait.eq [sflag:s5], $0x1  }
0x95: {  	[sflag:s5] =	ssyncset.done $0x0  }
0x96: {  	[sflag:s5] =	ssyncadd.s32 $0xFFFFFFFF  }
0x97: {  	s17 =	sld [smem:$0x11];
	(tm) =	ssettm $0x1  }
0x98: {  	s18 =	sld [smem:$0x3FFB];
	_ =	sdelay $0x3  }
0x99: {  	_ =	strace s18  }
0x9a: {  	s5 =	sld [smem:$0x3FFC];
	_ =	sdelay $0x3  }
0x9b: {  	_ =	strace s5  }
0x9c: {  	s5 =	sld [smem:$0x3FFD];
	_ =	sdelay $0x3  }
0x9d: {  	_ =	strace s5  }
0x9e: {  	_ =	strace $0x8FFFFFFF  }
0x9f: {  	s19 =	sld [smem:$0x3FDB];
	_ =	sdelay $0x1  }
0xa0: {  	s20 =	simm.s32 $_scs_section_size  }
0xa1: {  	s7 =	simm.s32 $_size__tile_overlayer_lowered;
	s8 =	simm.s32 $_tile_overlayer_lowered  }
0xa2: {  	s23 =	simm.s32 $0x1BFF;
	s22 =	sshll.u32 s8, $0x1;
	s5 =	sadd.s32 s20, s19  }
0xa3: {  	s9 =	simm.s32 $0x0;
	s21 =	sshll.u32 s7, $0x1;
	s7 =	sadd.s32 s22, s5  }
0xa4: {  	[timem:s9], [sflag:s23] =	dma.local [hbm:s7], s21  }
0xa5: {  	_ =	swait.ge [sflag:s23], s21  }
0xa6: {  	s6 =	ssub.s32 $0x0, s21;
	[sflag:s23] =	ssyncset.done $0x0  }
0xa7: {  	[sflag:s23] =	ssyncadd.s32 s6;
	_ =	sdelay $0x1  }
0xa8: {  	s24 =	simm.s32 $0x1B8B  }
0xa9: {  	_ =	swait.ge [sflag:s24], $0x1  }
0xaa: {  	[sflag:s24] =	ssyncset.done $0x0  }
0xab: {  	s25 =	simm.s32 $0x1B8E;
	[sflag:s24] =	ssyncadd.s32 $0xFFFFFFFF  }
0xac: {  	s26 =	simm.s32 $execute0_lowered;
	[smem:$0x3FD2] =	sst s25  }
0xad: {  	s6 =	sshll.u32 s26, $0x1;
	_ =	strace $0x80000046;
	[dreg:$0x1] =	wrdreg $0xFFFFFFFF  }
0xae: {  	s28 =	simm.s32 $_size_execute0_lowered;
	s5 =	sadd.s32 s5, s6;
	[dreg:$0x0] =	wrdreg $0x0  }
0xaf: {  	s6 =	sshll.u32 s28, $0x1;
	[dreg:$0x2] =	wrdreg s5  }
0xb0: {  	[dreg:$0x3] =	wrdreg s6  }
0xb1: {  	[dreg:$0x4] =	wrdreg $0xC0  }
0xb2: {  	_ =	task [dreg:s9], $0x5FFFF  }
0xb3: {  	[dreg:$0x1] =	wrdreg $0xFFFFFFFF  }
0xb4: {  	[dreg:$0x0] =	wrdreg $0x60  }
0xb5: {  	[dreg:$0x2] =	wrdreg s4  }
0xb6: {  	[dreg:$0x3] =	wrdreg s16  }
0xb7: {  	[dreg:$0x4] =	wrdreg s17  }
0xb8: {  	[dreg:$0x5] =	wrdreg $0x9  }
0xb9: {  	_ =	task.clear_ibuf [dreg:s9], $0x6FFFF;
	_ =	strace $0x90000046  }
0xba: {  	s29 =	simm.s32 $0x9;
	_ =	strace $0x80000048  }
0xbb: {  	_ =	swait.ge [sflag:s29], $0x1  }
0xbc: {  	[sflag:s29] =	ssyncadd.s32 $0xFFFFFFFF  }
0xbd: {  	_ =	strace $0x90000048  }
0xbe: {  	_ =	sfence  }
0xbf: {  	s30 =	sld [smem:$0x0];
	_ =	sdelay $0x2  }
0xc0: {  	s31 =	sshll.u32 s1, $0xD;
	s1 =	sshrl.u32 s1, $0x2  }
0xc1: {  	s3 =	sand.u32 $0x4000, s31;
	s1 =	sadd.s32 s1, s30  }
0xc2: {  	s0 =	sor.u32 s3, s0;
	s1 =	sshll.u32 s1, $0x11  }
0xc3: {  	s0 =	sor.u32 s1, s0  }
0xc4: {  	s0 =	sadd.s32 $0x8F2B, s0  }
0xc5: {  	[sflag:s0] =	ssyncadd.remote.s32 $0x1  }
0xc6: {  	_ =	sfence.sel $0xFFFF  }
0xc7: {  	[dreg:$0x0] =	wrdreg $0xFFFFFFFF;
	(pc) =	sbr.abs _section_cstart, $3  }
0xc8: {  	[dreg:$0x1] =	wrdreg $0xFFFFFFFF  }
0xc9: {  	_ =	task.clear_ibuf [dreg:s9], $0x2FFFF;
	_ =	strace $0x9FFFFFFF  }
0xca: {  	(tm) =	ssettm $0x7FFFFFFF  }
0xcb: {  	_ =	shalt  }
tec
execute0_lowered:
.L_overlay_start_1:
0x0: {  	(tag) =	ssettag $0x1  }
0x1: {  	v0 =	vimm.s32 $0xEFCDAB89;
	v1 =	vimm.s32 $0x67452301;
	s0 =	rddreg [dreg:$0x0];
	v2 =	vimm.s32 $0xDCFE98BA  }
0x2: {  	s4 =	rddreg [dreg:$0x1];
	v3 =	vimm.s32 $0x54761032;
	v4 =	vimm.s32 $0xBA98FEDC;
	v5 =	vimm.s32 $0xFEDCBA98  }
0x3: {  	s5 =	rddreg [dreg:$0x2];
	v6 =	vimm.s32 $0x32107654;
	v7 =	vimm.s32 $0x76543210;
	v0 =	vunpack.c.l.s4.s8 v0  }
0x4: {  	s1 =	rddreg [dreg:$0x3];
	s2 =	simm.s32 $0x0;
	s6 =	srdreg.scid;
	v1 =	vunpack.c.l.s4.s8 v1;
	v2 =	vunpack.c.l.s4.s8 v2;
	v3 =	vunpack.c.l.s4.s8 v3  }
0x5: {  	s3 =	stileid.u32;
	s10 =	simm.s32 $0x2400;
	s11 =	simm.s32 $0x0;
	v5 =	vunpack.c.l.s4.s8 v5;
	v4 =	vunpack.c.l.s4.s8 v4;
	v6 =	vunpack.c.l.s4.s8 v6  }
0x6: {  	[smem:$0x7FF] =	sst s2;
	s6 =	sand.u32 $0x1, s6;
	s8 =	sshll.u32 s3, $0x8;
	v7 =	vunpack.c.l.s4.s8 v7;
	v0 =	vunpack.c.0.s8.s32 v0;
	v1 =	vunpack.c.0.s8.s32 v1  }
0x7: {  	s7 =	ssub.s32 $0x2, s6;
	s6 =	sshll.u32 s6, $0x7;
	_ =	strace $0x80000047;
	v2 =	vunpack.c.0.s8.s32 v2;
	v3 =	vunpack.c.0.s8.s32 v3;
	v5 =	vunpack.c.0.s8.s32 v5  }
0x8: {  	s9 =	sshrl.u32 s7, $0x1;
	s6 =	sor.u32 s6, s8;
	v4 =	vunpack.c.0.s8.s32 v4;
	v6 =	vunpack.c.0.s8.s32 v6;
	v7 =	vunpack.c.0.s8.s32 v7;
	s8 =	simm.s32 $0x2000  }
0x9: {  	s7 =	ssub.s32 s7, s9;
	s4 =	sadd.s32 s4, s6;
	s5 =	sadd.s32 s5, s6;
	v0 =	vcombine.low v1, v0;
	v1 =	vcombine.low v3, v2;
	v3 =	vand.u32 $0xF, v5  }
0xa: {  	s9 =	simm.s32 $0x2800;
	s6 =	smax.u32 s7, $0x1;
	s7 =	simm.s32 $0x1;
	v2 =	vcombine.low v6, v4;
	v4 =	vlaneseq.u32;
	v3 =	vcombine.low v3, v7  }
.LBB2_1:
0xb: {  	[tilespmem:s2], [sflag:$0x1] =	stream.linear.gather [hbm4b:s0+s2], $0x2000, $0x38;
	[tilespmem:$0x2880] =	vst v63  }
0xc: {  	_ =	swait.ge [sflag:s7], $0x2000  }
0xd: {  	[sflag:s7] =	ssyncset.done $0x0  }
0xe: {  	[sflag:s7] =	ssyncadd.s32 $0xFFFFE000  }
0xf: {  	[tilespmem:s8], [sflag:$0x1] =	stream.linear.gather [hbm4b:s4+s2], $0x400, $0x38;
	[tilespmem:$0x2880] =	vst v63  }
0x10: {  	_ =	swait.ge [sflag:s7], $0x400  }
0x11: {  	[sflag:s7] =	ssyncset.done $0x0  }
0x12: {  	v5 =	vimm.f32 $0.0e+00;
	s12 =	simm.s32 $0x0;
	[sflag:s7] =	ssyncadd.s32 $0xFFFFFC00  }
.LBB2_2:
0x13: {  	s13 =	sshll.u32 s12, $0x7;
	s14 =	simm.s32 $0x0  }
0x14: {  	s13 =	sand.u32 $0x3FFFFF80, s13;
	s15 =	sand.u32 $0x1C00, s14  }
0x15: {  	s14 =	sand.u32 $0x70, s14;
	s15 =	sadd.s32 s15, s13  }
0x16: {  	s15 =	sadd.s32 s14, s15  }
0x17: {  	v7 =	vld [tilespmem:s15+$0x0]  }
0x18: {  	v6 =	vimm.f32 $0.0e+00;
	s14 =	simm.s32 $0x10;
	s15 =	simm.s32 $0x80  }
.LBB2_3:
0x19: {  	s16 =	sand.u32 $0x1C00, s15  }
0x1a: {  	p0 =	sne.s32 s14, $0x3F0;
	s17 =	smov.u32 s14;
	s14 =	sadd.s32 $0x10, s14  }
.Ltmp0:
0x1b: {  	s17 =	sand.u32 $0x70, s17;
	s16 =	sadd.s32 s16, s13;
	(pc) =	sbr.rel @p0 .LBB2_3-.Ltmp0, $3  }
0x1c: {  	s16 =	sadd.s32 s17, s16;
	v6 =	vadd.f32 v7, v6  }
0x1d: {  	v7 =	vld [tilespmem:s16+$0x0];
	_ =	sdelay $0x1  }
0x1e: {  	s15 =	sadd.s32 $0x80, s15  }
0x1f: {  	_ =	sdelay $0x1  }
0x20: {  	v6 =	vadd.f32 v7, v6;
	_ =	sdelay $0x1  }
0x21: {  	v7 =	vperm.xlane v6, v0;
	_ =	sdelay $0x1  }
0x22: {  	v6 =	vadd.f32 v7, v6;
	_ =	sdelay $0x1  }
0x23: {  	v7 =	vperm.xlane v6, v1;
	_ =	sdelay $0x1  }
0x24: {  	v6 =	vadd.f32 v7, v6;
	_ =	sdelay $0x1  }
0x25: {  	v7 =	vperm.xlane v6, v2;
	_ =	sdelay $0x1  }
0x26: {  	v8 =	vmov s12;
	s12 =	sadd.s32 $0x1, s12;
	v6 =	vadd.f32 v7, v6  }
0x27: {  	p0 =	sne.s32 s12, $0x8  }
.Ltmp1:
0x28: {  	v7 =	vperm.xlane v6, v3;
	(pc) =	sbr.rel @p0 .LBB2_2-.Ltmp1, $4  }
0x29: {  	_ = 	snop  }
0x2a: {  	v6 =	vadd.f32 v7, v6  }
0x2b: {  	vm0 =	veq.s32 v8, v4  }
0x2c: {  	v5 =	vsel vm0, v6, v5  }
0x2d: {  	[tilespmem:$0x2800] =	vst v5;
	s12 =	simm.s32 $0x0  }
0x2e: {  	v5 =	vld [tilespmem:s12+$0x2000];
	_ =	sdelay $0x7  }
0x2f: {  	s13 =	simm.s32 $0x10;
	s14 =	simm.s32 $0x80;
	v5 =	vld.idx.msk [tilespmem:v5+s9+$0x0], $0xffff  }
.LBB2_6:
0x30: {  	p0 =	sne.s32 s14, $0xFC0;
	v6 =	vld [tilespmem:s13+$0x2000];
	_ =	sdelay $0x3  }
.Ltmp2:
0x31: {  	(pc) =	sbr.rel @p0 .LBB2_6-.Ltmp2, $2  }
0x32: {  	[tilespmem:s12+$0x2400] =	vst v5;
	s12 =	smov.u32 s13;
	_ =	sdelay $0x2  }
0x33: {  	s13 =	sshra.s32 s14, $0x2;
	s14 =	sadd.s32 $0x40, s14;
	v5 =	vld.idx.msk [tilespmem:v6+s9+$0x0], $0xffff  }
0x34: {  	v6 =	vld [tilespmem:s13+$0x2000];
	_ =	sdelay $0x6  }
0x35: {  	[tilespmem:s12+$0x2400] =	vst v5  }
0x36: {  	v5 =	vld.idx.msk [tilespmem:v6+s9+$0x0], $0xffff;
	_ =	sdelay $0x2  }
0x37: {  	s11 =	sadd.s32 $0x1, s11  }
0x38: {  	p0 =	sne.s32 s11, s6  }
.Ltmp3:
0x39: {  	[tilespmem:s13+$0x2400] =	vst v5;
	(pc) =	sbr.rel @p0 .LBB2_1-.Ltmp3, $4  }
0x3a: {  	[hbm4b:s5+s2] =	stream.linear.scatter [tilespmem:s10], [sflag:$0x1], $0x400, $0x38;
	[tilespmem:$0x2880] =	vst v63  }
0x3b: {  	_ =	swait.ge [sflag:s7], $0x400  }
0x3c: {  	[sflag:s7] =	ssyncset.done $0x0  }
0x3d: {  	[sflag:s7] =	ssyncadd.s32 $0xFFFFFC00  }
0x3e: {  	_ =	sfence.sel $0x180000  }
0x3f: {  	[bflag:$0x0] =	sbarrier.arrive $0xFFFF  }
0x40: {  	p0 =	sne.s32 s3, $0x0;
	_ =	strace $0x90000047  }
0x41: {  	s0 =	sadd.s32 @!p0 $0x100000, s1;
	[bflag:$0x2] =	sbarrier.arrive $0xFFFF  }
0x42: {  	[sflag:s0] =	ssyncadd.tile.s32 @!p0 $0x1;
	_ =	shalt  }
.Lfunc_end2:
_tile_overlayer_lowered:
.L_overlay_start_2:
0x43: {  	(tag) =	ssettag $0x2  }
0x44: {  	s0 =	rddreg [dreg:$0x0];
	s2 =	stileid.u32  }
0x45: {  	s1 =	rddreg [dreg:$0x1];
	p0 =	sne.s32 s2, $0x0  }
0x46: {  	s3 =	rddreg [dreg:$0x2];
	[bflag:$0x3] =	sbarrier.arrive $0xFFFF;
	s2 =	simm.s32 @!p0 $0x1C01  }
0x47: {  	[timem:s3], [sflag:s2] =	dma.local @!p0 [hbm:s0], s1  }
0x48: {  	s0 =	simm.s32 @!p0 $0x1  }
0x49: {  	_ =	swait.ge @!p0 [sflag:s0], s1  }
0x4a: {  	s1 =	ssub.s32 @!p0 $0x0, s1;
	[sflag:s0] =	ssyncset.done @!p0 $0x0  }
0x4b: {  	[sflag:s0] =	ssyncadd.s32 @!p0 s1  }
0x4c: {  	[bflag:$0x3] =	sbarrier.arrive $0xFFFF  }
0x4d: {  	_ =	shalt  }

</sc_bundles>
